<compile_context>
chip_gen: v7x
topology: tpu7x:2x2x1
jax: 0.10.2.dev20260603
libtpu: 0.0.44.dev20260713+nightly
codegen_flags: <defaults>
</compile_context>

<pallas_src>
import functools

import jax
import jax.numpy as jnp
from jax import lax
from jax.experimental import pallas as pl
from jax.experimental.pallas import tpu as pltpu
from jax.experimental.pallas import tpu_sc as plsc


def _make_gather(N, V, D, NC, NS):
    NW = NC * NS
    C = 128
    K = 2
    NBUF = 3
    DW = 1
    n_per_w = N // NW
    nchunks = n_per_w // C
    nfills = nchunks // K
    assert n_per_w % (K * C) == 0 and nfills > NBUF
    nfills_main = nfills - (nfills % NBUF)
    PCH = (nchunks + 7) // 8 * 8
    mesh = plsc.VectorSubcoreMesh(core_axis_name="c", subcore_axis_name="s")

    @functools.partial(
        pl.kernel,
        mesh=mesh,
        out_type=jax.ShapeDtypeStruct((N, D), jnp.float32),
        scratch_types=[
            pltpu.VMEM((PCH, C), jnp.int32),
            [pltpu.VMEM((K * C, D), jnp.float32)] * NBUF,
            [pltpu.SemaphoreType.DMA] * NBUF,
            [pltpu.SemaphoreType.DMA] * NBUF,
        ],
    )
    def gather_kernel(idx_hbm, table_hbm, out_hbm, idx_v, rows, gsems, wsems):
        wid = lax.axis_index("s") * NC + lax.axis_index("c")
        row_base = wid * n_per_w
        pltpu.sync_copy(idx_hbm.at[wid], idx_v)

        def gather_start(f, b):
            for t in range(K):
                pltpu.async_copy(table_hbm.at[idx_v.at[K * f + t]],
                                 rows[b].at[pl.ds(t * C, C)], gsems[b])

        def gather_wait(f, b):
            for t in range(K):
                pltpu.make_async_copy(table_hbm.at[idx_v.at[K * f + t]],
                                      rows[b].at[pl.ds(t * C, C)],
                                      gsems[b]).wait()

        def write_start(f, b):
            pltpu.async_copy(
                rows[b], out_hbm.at[pl.ds(row_base + f * K * C, K * C)],
                wsems[b])

        def write_wait(f, b):
            pltpu.make_async_copy(
                rows[b], out_hbm.at[pl.ds(row_base + f * K * C, K * C)],
                wsems[b]).wait()

        for j in range(NBUF - DW):
            gather_start(j, j)

        @pl.loop(0, nfills_main, step=NBUF)
        def _(g):
            for j in range(NBUF):
                f = g + j
                gather_wait(f, j)
                write_start(f, j)
                b2 = (j - DW) % NBUF

                @pl.when(f >= DW)
                def _():
                    write_wait(f - DW, b2)

                @pl.when(f + (NBUF - DW) < nfills)
                def _():
                    gather_start(f + (NBUF - DW), b2)

        for f in range(nfills_main, nfills):
            gather_wait(f, f % NBUF)
            write_start(f, f % NBUF)
            write_wait(f - DW, (f - DW) % NBUF)
        for t in range(DW):
            f = nfills - DW + t
            write_wait(f, f % NBUF)

    return gather_kernel, NW, nchunks, C


def kernel(x_word, table):
    B, S = x_word.shape
    V, D = table.shape
    N = B * S
    info = plsc.get_sparse_core_info()
    fn, NW, nchunks, C = _make_gather(N, V, D, info.num_cores,
                                      info.num_subcores)
    idx = x_word.T.reshape(NW, nchunks, C).astype(jnp.int32)
    pch = (nchunks + 7) // 8 * 8
    idx = jnp.pad(idx, ((0, 0), (0, pch - nchunks), (0, 0)))
    out = fn(idx, table)
    return out.reshape(S, B, D).transpose(1, 0, 2)

# --- scband reference (transcript-rebuilt; emitter-appended) ---
"""Pipeline reference for scband-word-embedding-30623116821128 (READ-ONLY COPY).

The authoritative reference and input builder live on the scoring server;
editing this copy changes nothing except your own understanding.
"""

import jax, jax.numpy as jnp
import numpy as np

PAD_ID = 0
VOCAB = 100000
DIM = 128

def setup_inputs(seed: int = 0) -> dict:
    key = jax.random.key(seed)
    k1, k2 = jax.random.split(key)
    x_word = jax.random.randint(k1, (4096, 50), 0, VOCAB, dtype=jnp.int64)
    table = jax.random.normal(k2, (VOCAB, DIM), dtype=jnp.float32)
    # padding_idx row is initialized to zeros in nn.Embedding
    table = table.at[PAD_ID].set(0.0)
    return {"x_word": x_word, "table": table}

def reference(x_word, table):
    # nn.Embedding forward: gather rows of the table
    return jnp.take(table, x_word, axis=0)

if __name__ == "__main__":
    import jax
    _d = setup_inputs()
    print(jax.jit(kernel)(*tuple(_d.values())))

</pallas_src>

<mosaic_0001>
#map = affine_map<(d0, d1) -> (0, 0, 0)>
#map1 = affine_map<(d0, d1) -> (0, 0)>
module attributes {stable_mosaic.version = 14 : i64} {
  func.func @gather_kernel(%arg0: i32, %arg1: i32, %arg2: memref<32x56x128xi32, #tpu.memory_space<hbm>>, %arg3: memref<100000x128xf32, #tpu.memory_space<hbm>>, %arg4: memref<204800x128xf32, #tpu.memory_space<hbm>>, %arg5: memref<56x128xi32, #tpu.memory_space<vmem>>, %arg6: memref<256x128xf32, #tpu.memory_space<vmem>>, %arg7: memref<256x128xf32, #tpu.memory_space<vmem>>, %arg8: memref<256x128xf32, #tpu.memory_space<vmem>>, %arg9: memref<!tpu.dma_semaphore, #tpu.memory_space<semaphore_mem>>, %arg10: memref<!tpu.dma_semaphore, #tpu.memory_space<semaphore_mem>>, %arg11: memref<!tpu.dma_semaphore, #tpu.memory_space<semaphore_mem>>, %arg12: memref<!tpu.dma_semaphore, #tpu.memory_space<semaphore_mem>>, %arg13: memref<!tpu.dma_semaphore, #tpu.memory_space<semaphore_mem>>, %arg14: memref<!tpu.dma_semaphore, #tpu.memory_space<semaphore_mem>>) attributes {dimension_semantics = [#tpu.dimension_semantics<core_parallel>, #tpu.dimension_semantics<subcore_parallel>], iteration_bounds = array<i64: 2, 16>, scalar_prefetch = 0 : i64, scratch_operands = 10 : i64, tpu.core_type = #tpu.core_type<sc_vector_subcore>, window_params = [{transform_indices = #map}, {transform_indices = #map1}, {transform_indices = #map1}]} {
    %mul3A = arith.constant 2 : i32
    %mul3A_0 = arith.muli %arg1, %mul3A : i32
    %add3A = arith.addi %mul3A_0, %arg0 : i32
    %mul3A_1 = arith.constant 6400 : i32
    %mul3A_2 = arith.muli %add3A, %mul3A_1 : i32
    "tpu.region"() ({
      %run_scoped3A = tpu.sem_alloc : memref<!tpu.dma_semaphore, #tpu.memory_space<semaphore_mem>>
      %dma_start3A_83 = arith.constant 0 : i32
      %dma_start3A_84 = arith.constant 0 : i32
      %dma_start3A_85 = tpu.memref_slice %arg2[%add3A, %dma_start3A_83, %dma_start3A_84] : memref<32x56x128xi32, #tpu.memory_space<hbm>> -> memref<1x56x128xi32, #tpu.memory_space<hbm>>
      %dma_start3A_86 = tpu.memref_squeeze %dma_start3A_85 : memref<1x56x128xi32, #tpu.memory_space<hbm>> -> memref<56x128xi32, #tpu.memory_space<hbm>>
      %dma_start3A_87 = arith.constant 0 : i32
      %dma_start3A_88 = arith.constant 0 : i32
      %dma_start3A_89 = tpu.memref_slice %arg2[%add3A, %dma_start3A_87, %dma_start3A_88] : memref<32x56x128xi32, #tpu.memory_space<hbm>> -> memref<1x56x128xi32, #tpu.memory_space<hbm>>
      %dma_start3A_90 = tpu.memref_squeeze %dma_start3A_89 : memref<1x56x128xi32, #tpu.memory_space<hbm>> -> memref<56x128xi32, #tpu.memory_space<hbm>>
      tpu.enqueue_dma source(%dma_start3A_90 : memref<56x128xi32, #tpu.memory_space<hbm>>) target(%arg5 : memref<56x128xi32, #tpu.memory_space<vmem>>) target_semaphore(%run_scoped3A : memref<!tpu.dma_semaphore, #tpu.memory_space<semaphore_mem>>)
      %dma_wait3A_91 = arith.constant 0 : i32
      %dma_wait3A_92 = arith.constant 0 : i32
      %dma_wait3A_93 = tpu.memref_slice %arg2[%add3A, %dma_wait3A_91, %dma_wait3A_92] : memref<32x56x128xi32, #tpu.memory_space<hbm>> -> memref<1x56x128xi32, #tpu.memory_space<hbm>>
      %dma_wait3A_94 = tpu.memref_squeeze %dma_wait3A_93 : memref<1x56x128xi32, #tpu.memory_space<hbm>> -> memref<56x128xi32, #tpu.memory_space<hbm>>
      %dma_wait3A_95 = arith.constant 0 : i32
      %dma_wait3A_96 = arith.constant 0 : i32
      %dma_wait3A_97 = tpu.memref_slice %arg2[%add3A, %dma_wait3A_95, %dma_wait3A_96] : memref<32x56x128xi32, #tpu.memory_space<hbm>> -> memref<1x56x128xi32, #tpu.memory_space<hbm>>
      %dma_wait3A_98 = tpu.memref_squeeze %dma_wait3A_97 : memref<1x56x128xi32, #tpu.memory_space<hbm>> -> memref<56x128xi32, #tpu.memory_space<hbm>>
      tpu.wait_dma2 semaphore(%run_scoped3A : memref<!tpu.dma_semaphore, #tpu.memory_space<semaphore_mem>>) src(%dma_wait3A_98 : memref<56x128xi32, #tpu.memory_space<hbm>>) dst(%arg5 : memref<56x128xi32, #tpu.memory_space<vmem>>)
      tpu.yield
    }) : () -> ()
    %dma_start3A = arith.constant 0 : i32
    %dma_start3A_3 = arith.constant 0 : i32
    %dma_start3A_4 = arith.constant 0 : i32
    %dma_start3A_5 = tpu.memref_slice %arg6[%dma_start3A_3, %dma_start3A_4] : memref<256x128xf32, #tpu.memory_space<vmem>> -> memref<128x128xf32, #tpu.memory_space<vmem>>
    %dma_start3A_6 = arith.constant 0 : i32
    %dma_start3A_7 = tpu.memref_slice %arg5[%dma_start3A, %dma_start3A_6] : memref<56x128xi32, #tpu.memory_space<vmem>> -> memref<1x128xi32, #tpu.memory_space<vmem>>
    %dma_start3A_8 = tpu.memref_squeeze %dma_start3A_7 : memref<1x128xi32, #tpu.memory_space<vmem>> -> memref<128xi32, #tpu.memory_space<vmem>>
    %dma_start3A_9 = arith.constant 0 : i32
    %dma_start3A_10 = arith.constant 0 : i32
    %dma_start3A_11 = tpu.memref_slice %arg3[%dma_start3A_9, %dma_start3A_10] : memref<100000x128xf32, #tpu.memory_space<hbm>> -> memref<100000x128xf32, #tpu.memory_space<hbm>>
    tpu.enqueue_indirect_dma source(%dma_start3A_11 : memref<100000x128xf32, #tpu.memory_space<hbm>>) target(%dma_start3A_5 : memref<128x128xf32, #tpu.memory_space<vmem>>) offsets(%dma_start3A_8 : memref<128xi32, #tpu.memory_space<vmem>>) semaphore(%arg9 : memref<!tpu.dma_semaphore, #tpu.memory_space<semaphore_mem>>)
    %dma_start3A_12 = arith.constant 1 : i32
    %dma_start3A_13 = arith.constant 128 : i32
    %dma_start3A_14 = arith.constant 0 : i32
    %dma_start3A_15 = tpu.memref_slice %arg6[%dma_start3A_13, %dma_start3A_14] : memref<256x128xf32, #tpu.memory_space<vmem>> -> memref<128x128xf32, #tpu.memory_space<vmem>>
    %dma_start3A_16 = arith.constant 0 : i32
    %dma_start3A_17 = tpu.memref_slice %arg5[%dma_start3A_12, %dma_start3A_16] : memref<56x128xi32, #tpu.memory_space<vmem>> -> memref<1x128xi32, #tpu.memory_space<vmem>>
    %dma_start3A_18 = tpu.memref_squeeze %dma_start3A_17 : memref<1x128xi32, #tpu.memory_space<vmem>> -> memref<128xi32, #tpu.memory_space<vmem>>
    %dma_start3A_19 = arith.constant 0 : i32
    %dma_start3A_20 = arith.constant 0 : i32
    %dma_start3A_21 = tpu.memref_slice %arg3[%dma_start3A_19, %dma_start3A_20] : memref<100000x128xf32, #tpu.memory_space<hbm>> -> memref<100000x128xf32, #tpu.memory_space<hbm>>
    tpu.enqueue_indirect_dma source(%dma_start3A_21 : memref<100000x128xf32, #tpu.memory_space<hbm>>) target(%dma_start3A_15 : memref<128x128xf32, #tpu.memory_space<vmem>>) offsets(%dma_start3A_18 : memref<128xi32, #tpu.memory_space<vmem>>) semaphore(%arg9 : memref<!tpu.dma_semaphore, #tpu.memory_space<semaphore_mem>>)
    %dma_start3A_22 = arith.constant 2 : i32
    %dma_start3A_23 = arith.constant 0 : i32
    %dma_start3A_24 = arith.constant 0 : i32
    %dma_start3A_25 = tpu.memref_slice %arg7[%dma_start3A_23, %dma_start3A_24] : memref<256x128xf32, #tpu.memory_space<vmem>> -> memref<128x128xf32, #tpu.memory_space<vmem>>
    %dma_start3A_26 = arith.constant 0 : i32
    %dma_start3A_27 = tpu.memref_slice %arg5[%dma_start3A_22, %dma_start3A_26] : memref<56x128xi32, #tpu.memory_space<vmem>> -> memref<1x128xi32, #tpu.memory_space<vmem>>
    %dma_start3A_28 = tpu.memref_squeeze %dma_start3A_27 : memref<1x128xi32, #tpu.memory_space<vmem>> -> memref<128xi32, #tpu.memory_space<vmem>>
    %dma_start3A_29 = arith.constant 0 : i32
    %dma_start3A_30 = arith.constant 0 : i32
    %dma_start3A_31 = tpu.memref_slice %arg3[%dma_start3A_29, %dma_start3A_30] : memref<100000x128xf32, #tpu.memory_space<hbm>> -> memref<100000x128xf32, #tpu.memory_space<hbm>>
    tpu.enqueue_indirect_dma source(%dma_start3A_31 : memref<100000x128xf32, #tpu.memory_space<hbm>>) target(%dma_start3A_25 : memref<128x128xf32, #tpu.memory_space<vmem>>) offsets(%dma_start3A_28 : memref<128xi32, #tpu.memory_space<vmem>>) semaphore(%arg10 : memref<!tpu.dma_semaphore, #tpu.memory_space<semaphore_mem>>)
    %dma_start3A_32 = arith.constant 3 : i32
    %dma_start3A_33 = arith.constant 128 : i32
    %dma_start3A_34 = arith.constant 0 : i32
    %dma_start3A_35 = tpu.memref_slice %arg7[%dma_start3A_33, %dma_start3A_34] : memref<256x128xf32, #tpu.memory_space<vmem>> -> memref<128x128xf32, #tpu.memory_space<vmem>>
    %dma_start3A_36 = arith.constant 0 : i32
    %dma_start3A_37 = tpu.memref_slice %arg5[%dma_start3A_32, %dma_start3A_36] : memref<56x128xi32, #tpu.memory_space<vmem>> -> memref<1x128xi32, #tpu.memory_space<vmem>>
    %dma_start3A_38 = tpu.memref_squeeze %dma_start3A_37 : memref<1x128xi32, #tpu.memory_space<vmem>> -> memref<128xi32, #tpu.memory_space<vmem>>
    %dma_start3A_39 = arith.constant 0 : i32
    %dma_start3A_40 = arith.constant 0 : i32
    %dma_start3A_41 = tpu.memref_slice %arg3[%dma_start3A_39, %dma_start3A_40] : memref<100000x128xf32, #tpu.memory_space<hbm>> -> memref<100000x128xf32, #tpu.memory_space<hbm>>
    tpu.enqueue_indirect_dma source(%dma_start3A_41 : memref<100000x128xf32, #tpu.memory_space<hbm>>) target(%dma_start3A_35 : memref<128x128xf32, #tpu.memory_space<vmem>>) offsets(%dma_start3A_38 : memref<128xi32, #tpu.memory_space<vmem>>) semaphore(%arg10 : memref<!tpu.dma_semaphore, #tpu.memory_space<semaphore_mem>>)
    %scan3A = arith.constant 0 : i32
    %scan3A_42 = arith.constant 8 : i32
    %scan3A_43 = arith.addi %scan3A, %scan3A_42 : i32
    %scan3A_44 = arith.constant 1 : i32
    scf.for %scan3A_83 = %scan3A to %scan3A_43 step %scan3A_44  : i32 {
      %mul3A_84 = arith.constant 3 : i32
      %mul3A_85 = arith.muli %scan3A_83, %mul3A_84 : i32
      %add3A_86 = arith.constant 0 : i32
      %add3A_87 = arith.addi %add3A_86, %mul3A_85 : i32
      %add3A_88 = arith.constant 0 : i32
      %add3A_89 = arith.addi %add3A_87, %add3A_88 : i32
      %mul3A_90 = arith.constant 2 : i32
      %mul3A_91 = arith.muli %mul3A_90, %add3A_89 : i32
      %add3A_92 = arith.constant 0 : i32
      %add3A_93 = arith.addi %mul3A_91, %add3A_92 : i32
      %dma_wait3A_94 = arith.constant 0 : i32
      %dma_wait3A_95 = arith.constant 0 : i32
      %dma_wait3A_96 = tpu.memref_slice %arg6[%dma_wait3A_94, %dma_wait3A_95] : memref<256x128xf32, #tpu.memory_space<vmem>> -> memref<128x128xf32, #tpu.memory_space<vmem>>
      %dma_wait3A_97 = arith.constant 0 : i32
      %dma_wait3A_98 = tpu.memref_slice %arg5[%add3A_93, %dma_wait3A_97] : memref<56x128xi32, #tpu.memory_space<vmem>> -> memref<1x128xi32, #tpu.memory_space<vmem>>
      %dma_wait3A_99 = tpu.memref_squeeze %dma_wait3A_98 : memref<1x128xi32, #tpu.memory_space<vmem>> -> memref<128xi32, #tpu.memory_space<vmem>>
      %dma_wait3A_100 = arith.constant 0 : i32
      %dma_wait3A_101 = arith.constant 0 : i32
      %dma_wait3A_102 = tpu.memref_slice %arg3[%dma_wait3A_100, %dma_wait3A_101] : memref<100000x128xf32, #tpu.memory_space<hbm>> -> memref<100000x128xf32, #tpu.memory_space<hbm>>
      tpu.wait_indirect_dma semaphore(%arg9 : memref<!tpu.dma_semaphore, #tpu.memory_space<semaphore_mem>>) src(%dma_wait3A_102 : memref<100000x128xf32, #tpu.memory_space<hbm>>) dst(%dma_wait3A_96 : memref<128x128xf32, #tpu.memory_space<vmem>>)
      %mul3A_103 = arith.constant 2 : i32
      %mul3A_104 = arith.muli %mul3A_103, %add3A_89 : i32
      %add3A_105 = arith.constant 1 : i32
      %add3A_106 = arith.addi %mul3A_104, %add3A_105 : i32
      %dma_wait3A_107 = arith.constant 128 : i32
      %dma_wait3A_108 = arith.constant 0 : i32
      %dma_wait3A_109 = tpu.memref_slice %arg6[%dma_wait3A_107, %dma_wait3A_108] : memref<256x128xf32, #tpu.memory_space<vmem>> -> memref<128x128xf32, #tpu.memory_space<vmem>>
      %dma_wait3A_110 = arith.constant 0 : i32
      %dma_wait3A_111 = tpu.memref_slice %arg5[%add3A_106, %dma_wait3A_110] : memref<56x128xi32, #tpu.memory_space<vmem>> -> memref<1x128xi32, #tpu.memory_space<vmem>>
      %dma_wait3A_112 = tpu.memref_squeeze %dma_wait3A_111 : memref<1x128xi32, #tpu.memory_space<vmem>> -> memref<128xi32, #tpu.memory_space<vmem>>
      %dma_wait3A_113 = arith.constant 0 : i32
      %dma_wait3A_114 = arith.constant 0 : i32
      %dma_wait3A_115 = tpu.memref_slice %arg3[%dma_wait3A_113, %dma_wait3A_114] : memref<100000x128xf32, #tpu.memory_space<hbm>> -> memref<100000x128xf32, #tpu.memory_space<hbm>>
      tpu.wait_indirect_dma semaphore(%arg9 : memref<!tpu.dma_semaphore, #tpu.memory_space<semaphore_mem>>) src(%dma_wait3A_115 : memref<100000x128xf32, #tpu.memory_space<hbm>>) dst(%dma_wait3A_109 : memref<128x128xf32, #tpu.memory_space<vmem>>)
      %mul3A_116 = arith.constant 2 : i32
      %mul3A_117 = arith.muli %add3A_89, %mul3A_116 : i32
      %mul3A_118 = arith.constant 128 : i32
      %mul3A_119 = arith.muli %mul3A_117, %mul3A_118 : i32
      %add3A_120 = arith.addi %mul3A_2, %mul3A_119 : i32
      %dma_start3A_121 = arith.constant 0 : i32
      %dma_start3A_122 = tpu.memref_slice %arg4[%add3A_120, %dma_start3A_121] : memref<204800x128xf32, #tpu.memory_space<hbm>> -> memref<256x128xf32, #tpu.memory_space<hbm>>
      %dma_start3A_123 = arith.constant 0 : i32
      %dma_start3A_124 = tpu.memref_slice %arg4[%add3A_120, %dma_start3A_123] : memref<204800x128xf32, #tpu.memory_space<hbm>> -> memref<256x128xf32, #tpu.memory_space<hbm>>
      tpu.enqueue_dma source(%arg6 : memref<256x128xf32, #tpu.memory_space<vmem>>) target(%dma_start3A_124 : memref<256x128xf32, #tpu.memory_space<hbm>>) target_semaphore(%arg12 : memref<!tpu.dma_semaphore, #tpu.memory_space<semaphore_mem>>)
      %ge3A = arith.constant 1 : i32
      %ge3A_125 = arith.cmpi sge, %add3A_89, %ge3A : i32
      %convert_element_type3A = arith.extui %ge3A_125 : i1 to i32
      %cond3A = arith.constant 0 : i32
      %cond3A_126 = arith.cmpi ne, %convert_element_type3A, %cond3A : i32
      scf.if %cond3A_126 {
        %sub3A = arith.constant 1 : i32
        %sub3A_231 = arith.subi %add3A_89, %sub3A : i32
        %mul3A_232 = arith.constant 2 : i32
        %mul3A_233 = arith.muli %sub3A_231, %mul3A_232 : i32
        %mul3A_234 = arith.constant 128 : i32
        %mul3A_235 = arith.muli %mul3A_233, %mul3A_234 : i32
        %add3A_236 = arith.addi %mul3A_2, %mul3A_235 : i32
        %dma_wait3A_237 = arith.constant 0 : i32
        %dma_wait3A_238 = tpu.memref_slice %arg4[%add3A_236, %dma_wait3A_237] : memref<204800x128xf32, #tpu.memory_space<hbm>> -> memref<256x128xf32, #tpu.memory_space<hbm>>
        %dma_wait3A_239 = arith.constant 0 : i32
        %dma_wait3A_240 = tpu.memref_slice %arg4[%add3A_236, %dma_wait3A_239] : memref<204800x128xf32, #tpu.memory_space<hbm>> -> memref<256x128xf32, #tpu.memory_space<hbm>>
        tpu.wait_dma2 semaphore(%arg14 : memref<!tpu.dma_semaphore, #tpu.memory_space<semaphore_mem>>) src(%arg8 : memref<256x128xf32, #tpu.memory_space<vmem>>) dst(%dma_wait3A_240 : memref<256x128xf32, #tpu.memory_space<hbm>>)
      } else {
      }
      %add3A_127 = arith.constant 2 : i32
      %add3A_128 = arith.addi %add3A_89, %add3A_127 : i32
      %lt3A = arith.constant 25 : i32
      %lt3A_129 = arith.cmpi slt, %add3A_128, %lt3A : i32
      %convert_element_type3A_130 = arith.extui %lt3A_129 : i1 to i32
      %cond3A_131 = arith.constant 0 : i32
      %cond3A_132 = arith.cmpi ne, %convert_element_type3A_130, %cond3A_131 : i32
      scf.if %cond3A_132 {
        %add3A_231 = arith.constant 2 : i32
        %add3A_232 = arith.addi %add3A_89, %add3A_231 : i32
        %mul3A_233 = arith.constant 2 : i32
        %mul3A_234 = arith.muli %mul3A_233, %add3A_232 : i32
        %add3A_235 = arith.constant 0 : i32
        %add3A_236 = arith.addi %mul3A_234, %add3A_235 : i32
        %dma_start3A_237 = arith.constant 0 : i32
        %dma_start3A_238 = arith.constant 0 : i32
        %dma_start3A_239 = tpu.memref_slice %arg8[%dma_start3A_237, %dma_start3A_238] : memref<256x128xf32, #tpu.memory_space<vmem>> -> memref<128x128xf32, #tpu.memory_space<vmem>>
        %dma_start3A_240 = arith.constant 0 : i32
        %dma_start3A_241 = tpu.memref_slice %arg5[%add3A_236, %dma_start3A_240] : memref<56x128xi32, #tpu.memory_space<vmem>> -> memref<1x128xi32, #tpu.memory_space<vmem>>
        %dma_start3A_242 = tpu.memref_squeeze %dma_start3A_241 : memref<1x128xi32, #tpu.memory_space<vmem>> -> memref<128xi32, #tpu.memory_space<vmem>>
        %dma_start3A_243 = arith.constant 0 : i32
        %dma_start3A_244 = arith.constant 0 : i32
        %dma_start3A_245 = tpu.memref_slice %arg3[%dma_start3A_243, %dma_start3A_244] : memref<100000x128xf32, #tpu.memory_space<hbm>> -> memref<100000x128xf32, #tpu.memory_space<hbm>>
        tpu.enqueue_indirect_dma source(%dma_start3A_245 : memref<100000x128xf32, #tpu.memory_space<hbm>>) target(%dma_start3A_239 : memref<128x128xf32, #tpu.memory_space<vmem>>) offsets(%dma_start3A_242 : memref<128xi32, #tpu.memory_space<vmem>>) semaphore(%arg11 : memref<!tpu.dma_semaphore, #tpu.memory_space<semaphore_mem>>)
        %mul3A_246 = arith.constant 2 : i32
        %mul3A_247 = arith.muli %mul3A_246, %add3A_232 : i32
        %add3A_248 = arith.constant 1 : i32
        %add3A_249 = arith.addi %mul3A_247, %add3A_248 : i32
        %dma_start3A_250 = arith.constant 128 : i32
        %dma_start3A_251 = arith.constant 0 : i32
        %dma_start3A_252 = tpu.memref_slice %arg8[%dma_start3A_250, %dma_start3A_251] : memref<256x128xf32, #tpu.memory_space<vmem>> -> memref<128x128xf32, #tpu.memory_space<vmem>>
        %dma_start3A_253 = arith.constant 0 : i32
        %dma_start3A_254 = tpu.memref_slice %arg5[%add3A_249, %dma_start3A_253] : memref<56x128xi32, #tpu.memory_space<vmem>> -> memref<1x128xi32, #tpu.memory_space<vmem>>
        %dma_start3A_255 = tpu.memref_squeeze %dma_start3A_254 : memref<1x128xi32, #tpu.memory_space<vmem>> -> memref<128xi32, #tpu.memory_space<vmem>>
        %dma_start3A_256 = arith.constant 0 : i32
        %dma_start3A_257 = arith.constant 0 : i32
        %dma_start3A_258 = tpu.memref_slice %arg3[%dma_start3A_256, %dma_start3A_257] : memref<100000x128xf32, #tpu.memory_space<hbm>> -> memref<100000x128xf32, #tpu.memory_space<hbm>>
        tpu.enqueue_indirect_dma source(%dma_start3A_258 : memref<100000x128xf32, #tpu.memory_space<hbm>>) target(%dma_start3A_252 : memref<128x128xf32, #tpu.memory_space<vmem>>) offsets(%dma_start3A_255 : memref<128xi32, #tpu.memory_space<vmem>>) semaphore(%arg11 : memref<!tpu.dma_semaphore, #tpu.memory_space<semaphore_mem>>)
      } else {
      }
      %add3A_133 = arith.constant 1 : i32
      %add3A_134 = arith.addi %add3A_87, %add3A_133 : i32
      %mul3A_135 = arith.constant 2 : i32
      %mul3A_136 = arith.muli %mul3A_135, %add3A_134 : i32
      %add3A_137 = arith.constant 0 : i32
      %add3A_138 = arith.addi %mul3A_136, %add3A_137 : i32
      %dma_wait3A_139 = arith.constant 0 : i32
      %dma_wait3A_140 = arith.constant 0 : i32
      %dma_wait3A_141 = tpu.memref_slice %arg7[%dma_wait3A_139, %dma_wait3A_140] : memref<256x128xf32, #tpu.memory_space<vmem>> -> memref<128x128xf32, #tpu.memory_space<vmem>>
      %dma_wait3A_142 = arith.constant 0 : i32
      %dma_wait3A_143 = tpu.memref_slice %arg5[%add3A_138, %dma_wait3A_142] : memref<56x128xi32, #tpu.memory_space<vmem>> -> memref<1x128xi32, #tpu.memory_space<vmem>>
      %dma_wait3A_144 = tpu.memref_squeeze %dma_wait3A_143 : memref<1x128xi32, #tpu.memory_space<vmem>> -> memref<128xi32, #tpu.memory_space<vmem>>
      %dma_wait3A_145 = arith.constant 0 : i32
      %dma_wait3A_146 = arith.constant 0 : i32
      %dma_wait3A_147 = tpu.memref_slice %arg3[%dma_wait3A_145, %dma_wait3A_146] : memref<100000x128xf32, #tpu.memory_space<hbm>> -> memref<100000x128xf32, #tpu.memory_space<hbm>>
      tpu.wait_indirect_dma semaphore(%arg10 : memref<!tpu.dma_semaphore, #tpu.memory_space<semaphore_mem>>) src(%dma_wait3A_147 : memref<100000x128xf32, #tpu.memory_space<hbm>>) dst(%dma_wait3A_141 : memref<128x128xf32, #tpu.memory_space<vmem>>)
      %mul3A_148 = arith.constant 2 : i32
      %mul3A_149 = arith.muli %mul3A_148, %add3A_134 : i32
      %add3A_150 = arith.constant 1 : i32
      %add3A_151 = arith.addi %mul3A_149, %add3A_150 : i32
      %dma_wait3A_152 = arith.constant 128 : i32
      %dma_wait3A_153 = arith.constant 0 : i32
      %dma_wait3A_154 = tpu.memref_slice %arg7[%dma_wait3A_152, %dma_wait3A_153] : memref<256x128xf32, #tpu.memory_space<vmem>> -> memref<128x128xf32, #tpu.memory_space<vmem>>
      %dma_wait3A_155 = arith.constant 0 : i32
      %dma_wait3A_156 = tpu.memref_slice %arg5[%add3A_151, %dma_wait3A_155] : memref<56x128xi32, #tpu.memory_space<vmem>> -> memref<1x128xi32, #tpu.memory_space<vmem>>
      %dma_wait3A_157 = tpu.memref_squeeze %dma_wait3A_156 : memref<1x128xi32, #tpu.memory_space<vmem>> -> memref<128xi32, #tpu.memory_space<vmem>>
      %dma_wait3A_158 = arith.constant 0 : i32
      %dma_wait3A_159 = arith.constant 0 : i32
      %dma_wait3A_160 = tpu.memref_slice %arg3[%dma_wait3A_158, %dma_wait3A_159] : memref<100000x128xf32, #tpu.memory_space<hbm>> -> memref<100000x128xf32, #tpu.memory_space<hbm>>
      tpu.wait_indirect_dma semaphore(%arg10 : memref<!tpu.dma_semaphore, #tpu.memory_space<semaphore_mem>>) src(%dma_wait3A_160 : memref<100000x128xf32, #tpu.memory_space<hbm>>) dst(%dma_wait3A_154 : memref<128x128xf32, #tpu.memory_space<vmem>>)
      %mul3A_161 = arith.constant 2 : i32
      %mul3A_162 = arith.muli %add3A_134, %mul3A_161 : i32
      %mul3A_163 = arith.constant 128 : i32
      %mul3A_164 = arith.muli %mul3A_162, %mul3A_163 : i32
      %add3A_165 = arith.addi %mul3A_2, %mul3A_164 : i32
      %dma_start3A_166 = arith.constant 0 : i32
      %dma_start3A_167 = tpu.memref_slice %arg4[%add3A_165, %dma_start3A_166] : memref<204800x128xf32, #tpu.memory_space<hbm>> -> memref<256x128xf32, #tpu.memory_space<hbm>>
      %dma_start3A_168 = arith.constant 0 : i32
      %dma_start3A_169 = tpu.memref_slice %arg4[%add3A_165, %dma_start3A_168] : memref<204800x128xf32, #tpu.memory_space<hbm>> -> memref<256x128xf32, #tpu.memory_space<hbm>>
      tpu.enqueue_dma source(%arg7 : memref<256x128xf32, #tpu.memory_space<vmem>>) target(%dma_start3A_169 : memref<256x128xf32, #tpu.memory_space<hbm>>) target_semaphore(%arg13 : memref<!tpu.dma_semaphore, #tpu.memory_space<semaphore_mem>>)
      %ge3A_170 = arith.constant 1 : i32
      %ge3A_171 = arith.cmpi sge, %add3A_134, %ge3A_170 : i32
      %convert_element_type3A_172 = arith.extui %ge3A_171 : i1 to i32
      %cond3A_173 = arith.constant 0 : i32
      %cond3A_174 = arith.cmpi ne, %convert_element_type3A_172, %cond3A_173 : i32
      scf.if %cond3A_174 {
        %sub3A = arith.constant 1 : i32
        %sub3A_231 = arith.subi %add3A_134, %sub3A : i32
        %mul3A_232 = arith.constant 2 : i32
        %mul3A_233 = arith.muli %sub3A_231, %mul3A_232 : i32
        %mul3A_234 = arith.constant 128 : i32
        %mul3A_235 = arith.muli %mul3A_233, %mul3A_234 : i32
        %add3A_236 = arith.addi %mul3A_2, %mul3A_235 : i32
        %dma_wait3A_237 = arith.constant 0 : i32
        %dma_wait3A_238 = tpu.memref_slice %arg4[%add3A_236, %dma_wait3A_237] : memref<204800x128xf32, #tpu.memory_space<hbm>> -> memref<256x128xf32, #tpu.memory_space<hbm>>
        %dma_wait3A_239 = arith.constant 0 : i32
        %dma_wait3A_240 = tpu.memref_slice %arg4[%add3A_236, %dma_wait3A_239] : memref<204800x128xf32, #tpu.memory_space<hbm>> -> memref<256x128xf32, #tpu.memory_space<hbm>>
        tpu.wait_dma2 semaphore(%arg12 : memref<!tpu.dma_semaphore, #tpu.memory_space<semaphore_mem>>) src(%arg6 : memref<256x128xf32, #tpu.memory_space<vmem>>) dst(%dma_wait3A_240 : memref<256x128xf32, #tpu.memory_space<hbm>>)
      } else {
      }
      %add3A_175 = arith.constant 2 : i32
      %add3A_176 = arith.addi %add3A_134, %add3A_175 : i32
      %lt3A_177 = arith.constant 25 : i32
      %lt3A_178 = arith.cmpi slt, %add3A_176, %lt3A_177 : i32
      %convert_element_type3A_179 = arith.extui %lt3A_178 : i1 to i32
      %cond3A_180 = arith.constant 0 : i32
      %cond3A_181 = arith.cmpi ne, %convert_element_type3A_179, %cond3A_180 : i32
      scf.if %cond3A_181 {
        %add3A_231 = arith.constant 2 : i32
        %add3A_232 = arith.addi %add3A_134, %add3A_231 : i32
        %mul3A_233 = arith.constant 2 : i32
        %mul3A_234 = arith.muli %mul3A_233, %add3A_232 : i32
        %add3A_235 = arith.constant 0 : i32
        %add3A_236 = arith.addi %mul3A_234, %add3A_235 : i32
        %dma_start3A_237 = arith.constant 0 : i32
        %dma_start3A_238 = arith.constant 0 : i32
        %dma_start3A_239 = tpu.memref_slice %arg6[%dma_start3A_237, %dma_start3A_238] : memref<256x128xf32, #tpu.memory_space<vmem>> -> memref<128x128xf32, #tpu.memory_space<vmem>>
        %dma_start3A_240 = arith.constant 0 : i32
        %dma_start3A_241 = tpu.memref_slice %arg5[%add3A_236, %dma_start3A_240] : memref<56x128xi32, #tpu.memory_space<vmem>> -> memref<1x128xi32, #tpu.memory_space<vmem>>
        %dma_start3A_242 = tpu.memref_squeeze %dma_start3A_241 : memref<1x128xi32, #tpu.memory_space<vmem>> -> memref<128xi32, #tpu.memory_space<vmem>>
        %dma_start3A_243 = arith.constant 0 : i32
        %dma_start3A_244 = arith.constant 0 : i32
        %dma_start3A_245 = tpu.memref_slice %arg3[%dma_start3A_243, %dma_start3A_244] : memref<100000x128xf32, #tpu.memory_space<hbm>> -> memref<100000x128xf32, #tpu.memory_space<hbm>>
        tpu.enqueue_indirect_dma source(%dma_start3A_245 : memref<100000x128xf32, #tpu.memory_space<hbm>>) target(%dma_start3A_239 : memref<128x128xf32, #tpu.memory_space<vmem>>) offsets(%dma_start3A_242 : memref<128xi32, #tpu.memory_space<vmem>>) semaphore(%arg9 : memref<!tpu.dma_semaphore, #tpu.memory_space<semaphore_mem>>)
        %mul3A_246 = arith.constant 2 : i32
        %mul3A_247 = arith.muli %mul3A_246, %add3A_232 : i32
        %add3A_248 = arith.constant 1 : i32
        %add3A_249 = arith.addi %mul3A_247, %add3A_248 : i32
        %dma_start3A_250 = arith.constant 128 : i32
        %dma_start3A_251 = arith.constant 0 : i32
        %dma_start3A_252 = tpu.memref_slice %arg6[%dma_start3A_250, %dma_start3A_251] : memref<256x128xf32, #tpu.memory_space<vmem>> -> memref<128x128xf32, #tpu.memory_space<vmem>>
        %dma_start3A_253 = arith.constant 0 : i32
        %dma_start3A_254 = tpu.memref_slice %arg5[%add3A_249, %dma_start3A_253] : memref<56x128xi32, #tpu.memory_space<vmem>> -> memref<1x128xi32, #tpu.memory_space<vmem>>
        %dma_start3A_255 = tpu.memref_squeeze %dma_start3A_254 : memref<1x128xi32, #tpu.memory_space<vmem>> -> memref<128xi32, #tpu.memory_space<vmem>>
        %dma_start3A_256 = arith.constant 0 : i32
        %dma_start3A_257 = arith.constant 0 : i32
        %dma_start3A_258 = tpu.memref_slice %arg3[%dma_start3A_256, %dma_start3A_257] : memref<100000x128xf32, #tpu.memory_space<hbm>> -> memref<100000x128xf32, #tpu.memory_space<hbm>>
        tpu.enqueue_indirect_dma source(%dma_start3A_258 : memref<100000x128xf32, #tpu.memory_space<hbm>>) target(%dma_start3A_252 : memref<128x128xf32, #tpu.memory_space<vmem>>) offsets(%dma_start3A_255 : memref<128xi32, #tpu.memory_space<vmem>>) semaphore(%arg9 : memref<!tpu.dma_semaphore, #tpu.memory_space<semaphore_mem>>)
      } else {
      }
      %add3A_182 = arith.constant 2 : i32
      %add3A_183 = arith.addi %add3A_87, %add3A_182 : i32
      %mul3A_184 = arith.constant 2 : i32
      %mul3A_185 = arith.muli %mul3A_184, %add3A_183 : i32
      %add3A_186 = arith.constant 0 : i32
      %add3A_187 = arith.addi %mul3A_185, %add3A_186 : i32
      %dma_wait3A_188 = arith.constant 0 : i32
      %dma_wait3A_189 = arith.constant 0 : i32
      %dma_wait3A_190 = tpu.memref_slice %arg8[%dma_wait3A_188, %dma_wait3A_189] : memref<256x128xf32, #tpu.memory_space<vmem>> -> memref<128x128xf32, #tpu.memory_space<vmem>>
      %dma_wait3A_191 = arith.constant 0 : i32
      %dma_wait3A_192 = tpu.memref_slice %arg5[%add3A_187, %dma_wait3A_191] : memref<56x128xi32, #tpu.memory_space<vmem>> -> memref<1x128xi32, #tpu.memory_space<vmem>>
      %dma_wait3A_193 = tpu.memref_squeeze %dma_wait3A_192 : memref<1x128xi32, #tpu.memory_space<vmem>> -> memref<128xi32, #tpu.memory_space<vmem>>
      %dma_wait3A_194 = arith.constant 0 : i32
      %dma_wait3A_195 = arith.constant 0 : i32
      %dma_wait3A_196 = tpu.memref_slice %arg3[%dma_wait3A_194, %dma_wait3A_195] : memref<100000x128xf32, #tpu.memory_space<hbm>> -> memref<100000x128xf32, #tpu.memory_space<hbm>>
      tpu.wait_indirect_dma semaphore(%arg11 : memref<!tpu.dma_semaphore, #tpu.memory_space<semaphore_mem>>) src(%dma_wait3A_196 : memref<100000x128xf32, #tpu.memory_space<hbm>>) dst(%dma_wait3A_190 : memref<128x128xf32, #tpu.memory_space<vmem>>)
      %mul3A_197 = arith.constant 2 : i32
      %mul3A_198 = arith.muli %mul3A_197, %add3A_183 : i32
      %add3A_199 = arith.constant 1 : i32
      %add3A_200 = arith.addi %mul3A_198, %add3A_199 : i32
      %dma_wait3A_201 = arith.constant 128 : i32
      %dma_wait3A_202 = arith.constant 0 : i32
      %dma_wait3A_203 = tpu.memref_slice %arg8[%dma_wait3A_201, %dma_wait3A_202] : memref<256x128xf32, #tpu.memory_space<vmem>> -> memref<128x128xf32, #tpu.memory_space<vmem>>
      %dma_wait3A_204 = arith.constant 0 : i32
      %dma_wait3A_205 = tpu.memref_slice %arg5[%add3A_200, %dma_wait3A_204] : memref<56x128xi32, #tpu.memory_space<vmem>> -> memref<1x128xi32, #tpu.memory_space<vmem>>
      %dma_wait3A_206 = tpu.memref_squeeze %dma_wait3A_205 : memref<1x128xi32, #tpu.memory_space<vmem>> -> memref<128xi32, #tpu.memory_space<vmem>>
      %dma_wait3A_207 = arith.constant 0 : i32
      %dma_wait3A_208 = arith.constant 0 : i32
      %dma_wait3A_209 = tpu.memref_slice %arg3[%dma_wait3A_207, %dma_wait3A_208] : memref<100000x128xf32, #tpu.memory_space<hbm>> -> memref<100000x128xf32, #tpu.memory_space<hbm>>
      tpu.wait_indirect_dma semaphore(%arg11 : memref<!tpu.dma_semaphore, #tpu.memory_space<semaphore_mem>>) src(%dma_wait3A_209 : memref<100000x128xf32, #tpu.memory_space<hbm>>) dst(%dma_wait3A_203 : memref<128x128xf32, #tpu.memory_space<vmem>>)
      %mul3A_210 = arith.constant 2 : i32
      %mul3A_211 = arith.muli %add3A_183, %mul3A_210 : i32
      %mul3A_212 = arith.constant 128 : i32
      %mul3A_213 = arith.muli %mul3A_211, %mul3A_212 : i32
      %add3A_214 = arith.addi %mul3A_2, %mul3A_213 : i32
      %dma_start3A_215 = arith.constant 0 : i32
      %dma_start3A_216 = tpu.memref_slice %arg4[%add3A_214, %dma_start3A_215] : memref<204800x128xf32, #tpu.memory_space<hbm>> -> memref<256x128xf32, #tpu.memory_space<hbm>>
      %dma_start3A_217 = arith.constant 0 : i32
      %dma_start3A_218 = tpu.memref_slice %arg4[%add3A_214, %dma_start3A_217] : memref<204800x128xf32, #tpu.memory_space<hbm>> -> memref<256x128xf32, #tpu.memory_space<hbm>>
      tpu.enqueue_dma source(%arg8 : memref<256x128xf32, #tpu.memory_space<vmem>>) target(%dma_start3A_218 : memref<256x128xf32, #tpu.memory_space<hbm>>) target_semaphore(%arg14 : memref<!tpu.dma_semaphore, #tpu.memory_space<semaphore_mem>>)
      %ge3A_219 = arith.constant 1 : i32
      %ge3A_220 = arith.cmpi sge, %add3A_183, %ge3A_219 : i32
      %convert_element_type3A_221 = arith.extui %ge3A_220 : i1 to i32
      %cond3A_222 = arith.constant 0 : i32
      %cond3A_223 = arith.cmpi ne, %convert_element_type3A_221, %cond3A_222 : i32
      scf.if %cond3A_223 {
        %sub3A = arith.constant 1 : i32
        %sub3A_231 = arith.subi %add3A_183, %sub3A : i32
        %mul3A_232 = arith.constant 2 : i32
        %mul3A_233 = arith.muli %sub3A_231, %mul3A_232 : i32
        %mul3A_234 = arith.constant 128 : i32
        %mul3A_235 = arith.muli %mul3A_233, %mul3A_234 : i32
        %add3A_236 = arith.addi %mul3A_2, %mul3A_235 : i32
        %dma_wait3A_237 = arith.constant 0 : i32
        %dma_wait3A_238 = tpu.memref_slice %arg4[%add3A_236, %dma_wait3A_237] : memref<204800x128xf32, #tpu.memory_space<hbm>> -> memref<256x128xf32, #tpu.memory_space<hbm>>
        %dma_wait3A_239 = arith.constant 0 : i32
        %dma_wait3A_240 = tpu.memref_slice %arg4[%add3A_236, %dma_wait3A_239] : memref<204800x128xf32, #tpu.memory_space<hbm>> -> memref<256x128xf32, #tpu.memory_space<hbm>>
        tpu.wait_dma2 semaphore(%arg13 : memref<!tpu.dma_semaphore, #tpu.memory_space<semaphore_mem>>) src(%arg7 : memref<256x128xf32, #tpu.memory_space<vmem>>) dst(%dma_wait3A_240 : memref<256x128xf32, #tpu.memory_space<hbm>>)
      } else {
      }
      %add3A_224 = arith.constant 2 : i32
      %add3A_225 = arith.addi %add3A_183, %add3A_224 : i32
      %lt3A_226 = arith.constant 25 : i32
      %lt3A_227 = arith.cmpi slt, %add3A_225, %lt3A_226 : i32
      %convert_element_type3A_228 = arith.extui %lt3A_227 : i1 to i32
      %cond3A_229 = arith.constant 0 : i32
      %cond3A_230 = arith.cmpi ne, %convert_element_type3A_228, %cond3A_229 : i32
      scf.if %cond3A_230 {
        %add3A_231 = arith.constant 2 : i32
        %add3A_232 = arith.addi %add3A_183, %add3A_231 : i32
        %mul3A_233 = arith.constant 2 : i32
        %mul3A_234 = arith.muli %mul3A_233, %add3A_232 : i32
        %add3A_235 = arith.constant 0 : i32
        %add3A_236 = arith.addi %mul3A_234, %add3A_235 : i32
        %dma_start3A_237 = arith.constant 0 : i32
        %dma_start3A_238 = arith.constant 0 : i32
        %dma_start3A_239 = tpu.memref_slice %arg7[%dma_start3A_237, %dma_start3A_238] : memref<256x128xf32, #tpu.memory_space<vmem>> -> memref<128x128xf32, #tpu.memory_space<vmem>>
        %dma_start3A_240 = arith.constant 0 : i32
        %dma_start3A_241 = tpu.memref_slice %arg5[%add3A_236, %dma_start3A_240] : memref<56x128xi32, #tpu.memory_space<vmem>> -> memref<1x128xi32, #tpu.memory_space<vmem>>
        %dma_start3A_242 = tpu.memref_squeeze %dma_start3A_241 : memref<1x128xi32, #tpu.memory_space<vmem>> -> memref<128xi32, #tpu.memory_space<vmem>>
        %dma_start3A_243 = arith.constant 0 : i32
        %dma_start3A_244 = arith.constant 0 : i32
        %dma_start3A_245 = tpu.memref_slice %arg3[%dma_start3A_243, %dma_start3A_244] : memref<100000x128xf32, #tpu.memory_space<hbm>> -> memref<100000x128xf32, #tpu.memory_space<hbm>>
        tpu.enqueue_indirect_dma source(%dma_start3A_245 : memref<100000x128xf32, #tpu.memory_space<hbm>>) target(%dma_start3A_239 : memref<128x128xf32, #tpu.memory_space<vmem>>) offsets(%dma_start3A_242 : memref<128xi32, #tpu.memory_space<vmem>>) semaphore(%arg10 : memref<!tpu.dma_semaphore, #tpu.memory_space<semaphore_mem>>)
        %mul3A_246 = arith.constant 2 : i32
        %mul3A_247 = arith.muli %mul3A_246, %add3A_232 : i32
        %add3A_248 = arith.constant 1 : i32
        %add3A_249 = arith.addi %mul3A_247, %add3A_248 : i32
        %dma_start3A_250 = arith.constant 128 : i32
        %dma_start3A_251 = arith.constant 0 : i32
        %dma_start3A_252 = tpu.memref_slice %arg7[%dma_start3A_250, %dma_start3A_251] : memref<256x128xf32, #tpu.memory_space<vmem>> -> memref<128x128xf32, #tpu.memory_space<vmem>>
        %dma_start3A_253 = arith.constant 0 : i32
        %dma_start3A_254 = tpu.memref_slice %arg5[%add3A_249, %dma_start3A_253] : memref<56x128xi32, #tpu.memory_space<vmem>> -> memref<1x128xi32, #tpu.memory_space<vmem>>
        %dma_start3A_255 = tpu.memref_squeeze %dma_start3A_254 : memref<1x128xi32, #tpu.memory_space<vmem>> -> memref<128xi32, #tpu.memory_space<vmem>>
        %dma_start3A_256 = arith.constant 0 : i32
        %dma_start3A_257 = arith.constant 0 : i32
        %dma_start3A_258 = tpu.memref_slice %arg3[%dma_start3A_256, %dma_start3A_257] : memref<100000x128xf32, #tpu.memory_space<hbm>> -> memref<100000x128xf32, #tpu.memory_space<hbm>>
        tpu.enqueue_indirect_dma source(%dma_start3A_258 : memref<100000x128xf32, #tpu.memory_space<hbm>>) target(%dma_start3A_252 : memref<128x128xf32, #tpu.memory_space<vmem>>) offsets(%dma_start3A_255 : memref<128xi32, #tpu.memory_space<vmem>>) semaphore(%arg10 : memref<!tpu.dma_semaphore, #tpu.memory_space<semaphore_mem>>)
      } else {
      }
    }
    %scan3A_45 = arith.constant 8 : i32
    %dma_wait3A = arith.constant 48 : i32
    %dma_wait3A_46 = arith.constant 0 : i32
    %dma_wait3A_47 = arith.constant 0 : i32
    %dma_wait3A_48 = tpu.memref_slice %arg6[%dma_wait3A_46, %dma_wait3A_47] : memref<256x128xf32, #tpu.memory_space<vmem>> -> memref<128x128xf32, #tpu.memory_space<vmem>>
    %dma_wait3A_49 = arith.constant 0 : i32
    %dma_wait3A_50 = tpu.memref_slice %arg5[%dma_wait3A, %dma_wait3A_49] : memref<56x128xi32, #tpu.memory_space<vmem>> -> memref<1x128xi32, #tpu.memory_space<vmem>>
    %dma_wait3A_51 = tpu.memref_squeeze %dma_wait3A_50 : memref<1x128xi32, #tpu.memory_space<vmem>> -> memref<128xi32, #tpu.memory_space<vmem>>
    %dma_wait3A_52 = arith.constant 0 : i32
    %dma_wait3A_53 = arith.constant 0 : i32
    %dma_wait3A_54 = tpu.memref_slice %arg3[%dma_wait3A_52, %dma_wait3A_53] : memref<100000x128xf32, #tpu.memory_space<hbm>> -> memref<100000x128xf32, #tpu.memory_space<hbm>>
    tpu.wait_indirect_dma semaphore(%arg9 : memref<!tpu.dma_semaphore, #tpu.memory_space<semaphore_mem>>) src(%dma_wait3A_54 : memref<100000x128xf32, #tpu.memory_space<hbm>>) dst(%dma_wait3A_48 : memref<128x128xf32, #tpu.memory_space<vmem>>)
    %dma_wait3A_55 = arith.constant 49 : i32
    %dma_wait3A_56 = arith.constant 128 : i32
    %dma_wait3A_57 = arith.constant 0 : i32
    %dma_wait3A_58 = tpu.memref_slice %arg6[%dma_wait3A_56, %dma_wait3A_57] : memref<256x128xf32, #tpu.memory_space<vmem>> -> memref<128x128xf32, #tpu.memory_space<vmem>>
    %dma_wait3A_59 = arith.constant 0 : i32
    %dma_wait3A_60 = tpu.memref_slice %arg5[%dma_wait3A_55, %dma_wait3A_59] : memref<56x128xi32, #tpu.memory_space<vmem>> -> memref<1x128xi32, #tpu.memory_space<vmem>>
    %dma_wait3A_61 = tpu.memref_squeeze %dma_wait3A_60 : memref<1x128xi32, #tpu.memory_space<vmem>> -> memref<128xi32, #tpu.memory_space<vmem>>
    %dma_wait3A_62 = arith.constant 0 : i32
    %dma_wait3A_63 = arith.constant 0 : i32
    %dma_wait3A_64 = tpu.memref_slice %arg3[%dma_wait3A_62, %dma_wait3A_63] : memref<100000x128xf32, #tpu.memory_space<hbm>> -> memref<100000x128xf32, #tpu.memory_space<hbm>>
    tpu.wait_indirect_dma semaphore(%arg9 : memref<!tpu.dma_semaphore, #tpu.memory_space<semaphore_mem>>) src(%dma_wait3A_64 : memref<100000x128xf32, #tpu.memory_space<hbm>>) dst(%dma_wait3A_58 : memref<128x128xf32, #tpu.memory_space<vmem>>)
    %add3A_65 = arith.constant 6144 : i32
    %add3A_66 = arith.addi %mul3A_2, %add3A_65 : i32
    %dma_start3A_67 = arith.constant 0 : i32
    %dma_start3A_68 = tpu.memref_slice %arg4[%add3A_66, %dma_start3A_67] : memref<204800x128xf32, #tpu.memory_space<hbm>> -> memref<256x128xf32, #tpu.memory_space<hbm>>
    %dma_start3A_69 = arith.constant 0 : i32
    %dma_start3A_70 = tpu.memref_slice %arg4[%add3A_66, %dma_start3A_69] : memref<204800x128xf32, #tpu.memory_space<hbm>> -> memref<256x128xf32, #tpu.memory_space<hbm>>
    tpu.enqueue_dma source(%arg6 : memref<256x128xf32, #tpu.memory_space<vmem>>) target(%dma_start3A_70 : memref<256x128xf32, #tpu.memory_space<hbm>>) target_semaphore(%arg12 : memref<!tpu.dma_semaphore, #tpu.memory_space<semaphore_mem>>)
    %add3A_71 = arith.constant 5888 : i32
    %add3A_72 = arith.addi %mul3A_2, %add3A_71 : i32
    %dma_wait3A_73 = arith.constant 0 : i32
    %dma_wait3A_74 = tpu.memref_slice %arg4[%add3A_72, %dma_wait3A_73] : memref<204800x128xf32, #tpu.memory_space<hbm>> -> memref<256x128xf32, #tpu.memory_space<hbm>>
    %dma_wait3A_75 = arith.constant 0 : i32
    %dma_wait3A_76 = tpu.memref_slice %arg4[%add3A_72, %dma_wait3A_75] : memref<204800x128xf32, #tpu.memory_space<hbm>> -> memref<256x128xf32, #tpu.memory_space<hbm>>
    tpu.wait_dma2 semaphore(%arg14 : memref<!tpu.dma_semaphore, #tpu.memory_space<semaphore_mem>>) src(%arg8 : memref<256x128xf32, #tpu.memory_space<vmem>>) dst(%dma_wait3A_76 : memref<256x128xf32, #tpu.memory_space<hbm>>)
    %add3A_77 = arith.constant 6144 : i32
    %add3A_78 = arith.addi %mul3A_2, %add3A_77 : i32
    %dma_wait3A_79 = arith.constant 0 : i32
    %dma_wait3A_80 = tpu.memref_slice %arg4[%add3A_78, %dma_wait3A_79] : memref<204800x128xf32, #tpu.memory_space<hbm>> -> memref<256x128xf32, #tpu.memory_space<hbm>>
    %dma_wait3A_81 = arith.constant 0 : i32
    %dma_wait3A_82 = tpu.memref_slice %arg4[%add3A_78, %dma_wait3A_81] : memref<204800x128xf32, #tpu.memory_space<hbm>> -> memref<256x128xf32, #tpu.memory_space<hbm>>
    tpu.wait_dma2 semaphore(%arg12 : memref<!tpu.dma_semaphore, #tpu.memory_space<semaphore_mem>>) src(%arg6 : memref<256x128xf32, #tpu.memory_space<vmem>>) dst(%dma_wait3A_82 : memref<256x128xf32, #tpu.memory_space<hbm>>)
    return
  }
}

</mosaic_0001>

<sc_bundles>
// kernel: kernel.3.cloned.1.call-start
scs
__scs_entry_jumppad:
0x0: {  	(pc) =	sbr.rel $0x88, $3  }
0x1: {  	(tag) =	ssettag $0x0;
	lr =	simm.s32 $0x1  }
0x2: {  	[smem:$0x3F9F] =	sst lr;
	_ =	strace $0xD0000000  }
0x3: {  	_ = 	snop  }
0x4: {  	_ = 	snop  }
0x5: {  	_ = 	snop  }
0x6: {  	_ = 	snop  }
0x7: {  	_ = 	snop  }
__scs_overlays_trampoline_lowered:
0x8: {  	[smem:$0x3FAE] =	sst s0  }
0x9: {  	[smem:$0x3FAF] =	sst s1  }
0xa: {  	[smem:$0x3FB0] =	sst s2  }
0xb: {  	[smem:$0x3FB1] =	sst s3  }
0xc: {  	[smem:$0x3FB2] =	sst s4  }
0xd: {  	[smem:$0x3FB3] =	sst s5  }
0xe: {  	[smem:$0x3FB4] =	sst s6  }
0xf: {  	[smem:$0x3FB5] =	sst s7  }
0x10: {  	[smem:$0x3FB6] =	sst s8  }
0x11: {  	[smem:$0x3FB7] =	sst s9;
	s0 =	simm.s32 @!p0 $0x0  }
0x12: {  	s1 =	sld [smem:$0x3F9D];
	s0 =	simm.s32 @p0 $0x1  }
0x13: {  	[smem:$0x3FB8] =	sst s0;
	s0 =	simm.s32 @!p1 $0x0  }
0x14: {  	s2 =	sld [smem:$0x3F9C];
	s0 =	simm.s32 @p1 $0x1  }
0x15: {  	[smem:$0x3FB9] =	sst s0;
	s0 =	simm.s32 @!p2 $0x0  }
0x16: {  	s3 =	sld [smem:$0x3FDB];
	s0 =	simm.s32 @p2 $0x1  }
0x17: {  	s4 =	simm.s32 $0x1BF5;
	[smem:$0x3FBB] =	sst s0  }
0x18: {  	s0 =	sld [smem:$0x3F9E];
	_ =	swait.ge [sflag:s4], $0x0  }
0x19: {  	s7 =	sld [smem:$0x3F9F]  }
0x1a: {  	s8 =	sadd.s32 $0xFFFFE003, lr  }
0x1b: {  	s9 =	sadd.s32 $0xFFFFFEF7, lr;
	s5 =	simm.s32 $0xFFFFFFFF;
	p2 =	slt.u32 s8, $0xFFFFF086  }
0x1c: {  	p1 =	slt.u32 s9, $0xF7A;
	s5 =	simm.s32 @!p2 $0x0  }
0x1d: {  	s5 =	simm.s32 @p1 $0x1;
	p0 =	seq.s32 s7, s2  }
0x1e: {  	s7 =	smul.u32 @!p0 $0xF7A, s2;
	p2 =	seq.s32 @!p0 s5, $0x0  }
0x1f: {  	s9 =	smul.u32 $0xF7A, s1;
	s8 =	simm.s32 @!p0 $0x1BF5;
	p2 =	por !p2, p0  }
0x20: {  	[sflag:s8] =	ssyncset.s32 @!p0 $0xFFFFF086;
	s6 =	sadd.s32 @!p0 s3, s7;
	s7 =	simm.s32 @!p0 $0x108  }
0x21: {  	s3 =	sadd.s32 s3, s9;
	s6 =	sadd.s32 @!p0 $0x88, s6;
	s7 =	simm.s32 @p2 $0x1082  }
0x22: {  	[simem:s7], [sflag:s8] =	dma.local @!p0 [hbm:s6], $0xF7A  }
0x23: {  	s9 =	sor.u32 $0xD0000000, s2;
	s6 =	simm.s32 $0x108;
	_ =	swait.ge @!p0 [sflag:s8], $0x0  }
0x24: {  	s3 =	sadd.s32 $0x88, s3;
	s6 =	simm.s32 @!p1 $0x1082;
	[sflag:s4] =	ssyncset.s32 $0xFFFFF086  }
0x25: {  	[simem:s6], [sflag:s4] =	dma.local [hbm:s3], $0xF7A  }
0x26: {  	[smem:$0x3F9F] =	sst s1;
	(tag) =	ssettag s2;
	_ =	strace s9  }
0x27: {  	s1 =	sld [smem:$0x3FAF]  }
0x28: {  	s2 =	sld [smem:$0x3FB0]  }
0x29: {  	s4 =	sld [smem:$0x3FB2]  }
0x2a: {  	p0 =	seq.s32 s5, $0x0;
	s5 =	sld [smem:$0x3FB3]  }
0x2b: {  	s6 =	sld [smem:$0x3FB4]  }
0x2c: {  	s7 =	sld [smem:$0x3FB5]  }
0x2d: {  	s3 =	simm.s32 $0x108;
	s8 =	sld [smem:$0x3FB6]  }
0x2e: {  	s3 =	simm.s32 @!p0 $0x1082;
	s9 =	sld [smem:$0x3FB7]  }
0x2f: {  	lr =	sadd.s32 s0, s3;
	s0 =	sld [smem:$0x3FAE]  }
0x30: {  	s3 =	sld [smem:$0x3FB1]  }
0x31: {  	[smem:$0x3FBA] =	sst s10  }
0x32: {  	s10 =	sld [smem:$0x3FB8];
	_ =	sdelay $0x3  }
0x33: {  	p0 =	seq.s32 s10, $0x1;
	s10 =	sld [smem:$0x3FBA];
	_ =	sdelay $0x3  }
0x34: {  	[smem:$0x3FBA] =	sst s10  }
0x35: {  	s10 =	sld [smem:$0x3FB9];
	_ =	sdelay $0x3  }
0x36: {  	p1 =	seq.s32 s10, $0x1;
	s10 =	sld [smem:$0x3FBA];
	_ =	sdelay $0x3  }
0x37: {  	[smem:$0x3FBA] =	sst s10  }
0x38: {  	s10 =	sld [smem:$0x3FBB]  }
0x39: {  	_ = 	snop;
	(pc) =	sbr.ind lr, $3  }
0x3a: {  	_ = 	snop  }
0x3b: {  	_ = 	snop  }
0x3c: {  	p2 =	seq.s32 s10, $0x1;
	s10 =	sld [smem:$0x3FBA]  }
0x3d: {  	_ =	shalt  }
0x3e: {  	_ =	shalt  }
0x3f: {  	_ =	shalt  }
0x40: {  	_ =	shalt  }
0x41: {  	_ =	shalt  }
0x42: {  	_ =	shalt  }
0x43: {  	_ =	shalt  }
0x44: {  	_ =	shalt  }
0x45: {  	_ =	shalt  }
0x46: {  	_ =	shalt  }
0x47: {  	_ =	shalt  }
0x48: {  	_ =	shalt  }
0x49: {  	_ =	shalt  }
0x4a: {  	_ =	shalt  }
0x4b: {  	_ =	shalt  }
0x4c: {  	_ =	shalt  }
0x4d: {  	_ =	shalt  }
0x4e: {  	_ =	shalt  }
0x4f: {  	_ =	shalt  }
0x50: {  	_ =	shalt  }
0x51: {  	_ =	shalt  }
0x52: {  	_ =	shalt  }
0x53: {  	_ =	shalt  }
0x54: {  	_ =	shalt  }
0x55: {  	_ =	shalt  }
0x56: {  	_ =	shalt  }
0x57: {  	_ =	shalt  }
0x58: {  	_ =	shalt  }
0x59: {  	_ =	shalt  }
0x5a: {  	_ =	shalt  }
0x5b: {  	_ =	shalt  }
0x5c: {  	_ =	shalt  }
0x5d: {  	_ =	shalt  }
0x5e: {  	_ =	shalt  }
0x5f: {  	_ =	shalt  }
0x60: {  	_ =	shalt  }
0x61: {  	_ =	shalt  }
0x62: {  	_ =	shalt  }
0x63: {  	_ =	shalt  }
0x64: {  	_ =	shalt  }
0x65: {  	_ =	shalt  }
0x66: {  	_ =	shalt  }
0x67: {  	_ =	shalt  }
0x68: {  	_ =	shalt  }
0x69: {  	_ =	shalt  }
0x6a: {  	_ =	shalt  }
0x6b: {  	_ =	shalt  }
0x6c: {  	_ =	shalt  }
0x6d: {  	_ =	shalt  }
0x6e: {  	_ =	shalt  }
0x6f: {  	_ =	shalt  }
0x70: {  	_ =	shalt  }
0x71: {  	_ =	shalt  }
0x72: {  	_ =	shalt  }
0x73: {  	_ =	shalt  }
0x74: {  	_ =	shalt  }
0x75: {  	_ =	shalt  }
0x76: {  	_ =	shalt  }
0x77: {  	_ =	shalt  }
0x78: {  	_ =	shalt  }
0x79: {  	_ =	shalt  }
0x7a: {  	_ =	shalt  }
0x7b: {  	_ =	shalt  }
0x7c: {  	_ =	shalt  }
0x7d: {  	_ =	shalt  }
0x7e: {  	_ =	shalt  }
0x7f: {  	_ =	shalt  }
0x80: {  	_ =	shalt  }
0x81: {  	_ =	shalt  }
0x82: {  	_ =	shalt  }
0x83: {  	_ =	shalt  }
0x84: {  	_ =	shalt  }
0x85: {  	_ =	shalt  }
0x86: {  	_ =	shalt  }
0x87: {  	_ =	shalt  }
.Lfunc_end0:
.L_simem_size_0:
called_computation_lowered:
.L_overlay_start_0:
0x88: {  	s2 =	sld [smem:$0x3FD9]  }
0x89: {  	s3 =	sld [smem:$0x3FFE];
	_ =	sdelay $0x1  }
0x8a: {  	s1 =	srdreg.scid  }
0x8b: {  	s0 =	sand.u32 $0x1, s1  }
0x8c: {  	s17 =	sshll.u32 s0, $0xA;
	s2 =	sadd.s32 s3, s2  }
0x8d: {  	s2 =	sadd.s32 s2, s17  }
0x8e: {  	[smem:$0x3FC6] =	sst s2  }
0x8f: {  	_ = 	snop  }
0x90: {  	s2 =	sld [smem:$0x3FC8]  }
0x91: {  	s18 =	sld [smem:$0x3FD0];
	(tm) =	ssettm $0x1  }
0x92: {  	s4 =	sld [smem:$0x3FFB];
	_ =	sdelay $0x3  }
0x93: {  	_ =	strace s4  }
0x94: {  	s4 =	sld [smem:$0x3FFC];
	_ =	sdelay $0x3  }
0x95: {  	_ =	strace s4  }
0x96: {  	s4 =	sld [smem:$0x3FFD];
	_ =	sdelay $0x3  }
0x97: {  	_ =	strace s4  }
0x98: {  	_ =	strace $0x8FFFFFFF  }
0x99: {  	s19 =	sld [smem:$0x3FDB];
	_ =	sdelay $0x1  }
0x9a: {  	s5 =	simm.s32 $_scs_section_size  }
0x9b: {  	s6 =	simm.s32 $_size__tile_overlayer_lowered;
	s7 =	simm.s32 $_tile_overlayer_lowered  }
0x9c: {  	s22 =	simm.s32 $0x1BFF;
	s21 =	sshll.u32 s7, $0x1;
	s4 =	sadd.s32 s5, s19  }
0x9d: {  	s8 =	simm.s32 $0x0;
	s20 =	sshll.u32 s6, $0x1;
	s6 =	sadd.s32 s21, s4  }
0x9e: {  	[timem:s8], [sflag:s22] =	dma.local [hbm:s6], s20  }
0x9f: {  	_ =	swait.ge [sflag:s22], s20  }
0xa0: {  	s5 =	ssub.s32 $0x0, s20;
	[sflag:s22] =	ssyncset.done $0x0  }
0xa1: {  	[sflag:s22] =	ssyncadd.s32 s5;
	_ =	sdelay $0x1  }
0xa2: {  	s23 =	simm.s32 $0x1B8B  }
0xa3: {  	_ =	swait.ge [sflag:s23], $0x1  }
0xa4: {  	[sflag:s23] =	ssyncset.done $0x0  }
0xa5: {  	s25 =	simm.s32 $0x1B8E;
	s24 =	sld [smem:$0x3FFE];
	[sflag:s23] =	ssyncadd.s32 $0xFFFFFFFF  }
0xa6: {  	s26 =	simm.s32 $execute0_lowered;
	[smem:$0x3FD2] =	sst s25  }
0xa7: {  	s6 =	sshll.u32 s26, $0x1;
	_ =	strace $0x80000046;
	[dreg:$0x1] =	wrdreg $0xFFFFFFFF  }
0xa8: {  	s28 =	simm.s32 $_size_execute0_lowered;
	s4 =	sadd.s32 s4, s6;
	[dreg:$0x0] =	wrdreg $0x0  }
0xa9: {  	s6 =	sshll.u32 s28, $0x1;
	[dreg:$0x2] =	wrdreg s4  }
0xaa: {  	[dreg:$0x3] =	wrdreg s6  }
0xab: {  	[dreg:$0x4] =	wrdreg $0xC0  }
0xac: {  	_ =	task [dreg:s8], $0x5FFFF  }
0xad: {  	[dreg:$0x1] =	wrdreg $0xFFFFFFFF  }
0xae: {  	[dreg:$0x0] =	wrdreg $0x60  }
0xaf: {  	[dreg:$0x2] =	wrdreg s24  }
0xb0: {  	[dreg:$0x3] =	wrdreg s2  }
0xb1: {  	[dreg:$0x4] =	wrdreg s18  }
0xb2: {  	[dreg:$0x5] =	wrdreg $0x9  }
0xb3: {  	_ =	task.clear_ibuf [dreg:s8], $0x6FFFF;
	_ =	strace $0x90000046  }
0xb4: {  	s29 =	simm.s32 $0x9;
	_ =	strace $0x80000048  }
0xb5: {  	_ =	swait.ge [sflag:s29], $0x1  }
0xb6: {  	[sflag:s29] =	ssyncadd.s32 $0xFFFFFFFF  }
0xb7: {  	_ =	strace $0x90000048  }
0xb8: {  	_ =	sfence  }
0xb9: {  	s30 =	sld [smem:$0x0];
	_ =	sdelay $0x2  }
0xba: {  	s31 =	sshll.u32 s1, $0xD;
	s1 =	sshrl.u32 s1, $0x2  }
0xbb: {  	s3 =	sand.u32 $0x4000, s31;
	s1 =	sadd.s32 s1, s30  }
0xbc: {  	s0 =	sor.u32 s3, s0;
	s1 =	sshll.u32 s1, $0x11  }
0xbd: {  	s0 =	sor.u32 s1, s0  }
0xbe: {  	s0 =	sadd.s32 $0x8F2B, s0  }
0xbf: {  	[sflag:s0] =	ssyncadd.remote.s32 $0x1  }
0xc0: {  	_ =	sfence.sel $0xFFFF  }
0xc1: {  	[dreg:$0x0] =	wrdreg $0xFFFFFFFF;
	(pc) =	sbr.abs _section_cstart, $3  }
0xc2: {  	[dreg:$0x1] =	wrdreg $0xFFFFFFFF  }
0xc3: {  	_ =	task.clear_ibuf [dreg:s8], $0x2FFFF;
	_ =	strace $0x9FFFFFFF  }
0xc4: {  	(tm) =	ssettm $0x7FFFFFFF  }
0xc5: {  	_ =	shalt  }
tec
execute0_lowered:
.L_overlay_start_1:
0x0: {  	(tag) =	ssettag $0x1  }
0x1: {  	s0 =	rddreg [dreg:$0x0]  }
0x2: {  	s1 =	srdreg.scid;
	s2 =	rddreg [dreg:$0x1]  }
0x3: {  	s12 =	stileid.u32;
	s10 =	rddreg [dreg:$0x2];
	s13 =	simm.s32 $0x7  }
0x4: {  	s14 =	simm.s32 $0x80;
	s15 =	simm.s32 $0x1C00;
	s16 =	simm.s32 $0x5C00  }
0x5: {  	s18 =	simm.s32 $0x9C00;
	s20 =	simm.s32 $0xDC00;
	s11 =	smul.u32 $0x190000, s12  }
0x6: {  	s1 =	sand.u32 $0x1, s1;
	s3 =	sshll.u32 s12, $0x1;
	s12 =	smul.u32 $0x32000, s12  }
0x7: {  	s21 =	simm.s32 $0x1;
	s28 =	simm.s32 $0x4;
	s24 =	smul.u32 $0xC8000, s1  }
0x8: {  	s4 =	sor.u32 s1, s3;
	s23 =	ssub.s32 $0x2, s1;
	s1 =	smul.u32 $0x19000, s1  }
0x9: {  	s31 =	simm.s32 $0x3;
	s19 =	simm.s32 $0x6;
	s5 =	smul.u32 $0x380, s4  }
0xa: {  	s22 =	simm.s32 $0x0;
	s3 =	simm.s32 $0x0;
	s6 =	smul.u32 $0xC8000, s4  }
0xb: {  	[smem:$0x7FF] =	sst s3;
	s7 =	sshrl.u32 s23, $0x1;
	s8 =	smul.u32 $0x19000, s4  }
0xc: {  	s12 =	sadd.s32 s12, s10;
	_ =	strace $0x80000047;
	s7 =	ssub.s32 s23, s7  }
0xd: {  	s1 =	sadd.s32 s1, s12;
	s23 =	simm.s32 $0x11C00;
	s0 =	sadd.s32 s5, s0  }
0xe: {  	s6 =	sshrl.u32 s6, $0x3;
	s30 =	sadd.s32 $0x3000, s1;
	s1 =	simm.s32 $0x5  }
0xf: {  	s9 =	sadd.s32 s10, s6;
	s0 =	sadd.s32 $0x400, s0;
	s6 =	smax.u32 s7, $0x1  }
.Ltmp0:
0x10: {  	s7 =	sadd.s32 s10, s8;
	[dreg:$0x4] =	wrdreg s0;
	(pc) =	sbr.rel .LBB2_1-.Ltmp0, $4  }
0x11: {  	s5 =	sadd.s32 $0x18000, s9;
	s8 =	sadd.s32 $0x1000, s9;
	s0 =	sadd.s32 s24, s11  }
0x12: {  	s9 =	sadd.s32 $0x2000, s9;
	s11 =	sadd.s32 $0x20000, s0;
	s25 =	sadd.s32 $0x28000, s0  }
0x13: {  	s11 =	sshrl.u32 s11, $0x3;
	s26 =	sshrl.u32 s25, $0x3;
	s25 =	simm.s32 $0x15C00  }
0x14: {  	s0 =	sadd.s32 s11, s10;
	s29 =	sadd.s32 s26, s10;
	s26 =	simm.s32 $0x2  }
.LBB2_4:
0x15: {  	_ =	swait.ge [sflag:s21], $0x4000  }
0x16: {  	[sflag:s21] =	ssyncset.done $0x0  }
0x17: {  	[sflag:s21] =	ssyncadd.s32 $0xFFFFC000  }
0x18: {  	_ =	swait.ge [sflag:s21], $0x4000  }
0x19: {  	[sflag:s21] =	ssyncset.done $0x0  }
0x1a: {  	s22 =	sadd.s32 $0x1, s22;
	[sflag:s21] =	ssyncadd.s32 $0xFFFFC000  }
0x1b: {  	[hbm4b:s5+s3] =	stream.linear.scatter [tilespmem:s15], [sflag:$0x4], $0x8000, $0x38;
	[tilespmem:$0x19C00] =	vst v63  }
0x1c: {  	p0 =	sne.s32 s22, s6;
	_ =	swait.ge [sflag:s19], $0x8000  }
.Ltmp1:
0x1d: {  	[sflag:s19] =	ssyncset.done $0x0;
	(pc) =	sbr.rel @!p0 .LBB2_5-.Ltmp1, $4  }
0x1e: {  	[sflag:s19] =	ssyncadd.s32 $0xFFFF8000  }
0x1f: {  	_ =	swait.ge [sflag:s28], $0x8000  }
0x20: {  	[sflag:s28] =	ssyncset.done $0x0  }
0x21: {  	[sflag:s28] =	ssyncadd.s32 $0xFFFF8000  }
.LBB2_1:
0x22: {  	s4 =	rddreg [dreg:$0x4]  }
0x23: {  	[tilespmem:s3], [sflag:$0x7] =	stream.linear.gather [hbm4b:s4+s3], $0x1C00, $0x38;
	[tilespmem:$0x19C00] =	vst v63  }
0x24: {  	_ =	swait.ge [sflag:s13], $0x1C00  }
0x25: {  	[sflag:s13] =	ssyncset.done $0x0  }
0x26: {  	[sflag:s13] =	ssyncadd.s32 $0xFFFFE400  }
0x27: {  	[tilespmem:s15], [sflag:$0x1] =	stream.indirect.gather [hbm4b:s2+s14], $0x80, s3, s14, $0xb8;
	[tilespmem:$0x19C00] =	vst v63  }
0x28: {  	_ = 	snop  }
0x29: {  	[tilespmem:s16], [sflag:$0x1] =	stream.indirect.gather [hbm4b:s2+s14], $0x80, s14, s14, $0xb8;
	[tilespmem:$0x19C00] =	vst v63  }
0x2a: {  	s12 =	simm.s32 $0x100  }
0x2b: {  	[tilespmem:s18], [sflag:$0x2] =	stream.indirect.gather [hbm4b:s2+s14], $0x80, s12, s14, $0xb8;
	[tilespmem:$0x19C00] =	vst v63  }
0x2c: {  	s17 =	simm.s32 $0x180  }
0x2d: {  	[tilespmem:s20], [sflag:$0x2] =	stream.indirect.gather [hbm4b:s2+s14], $0x80, s17, s14, $0xb8;
	[tilespmem:$0x19C00] =	vst v63  }
0x2e: {  	_ =	swait.ge [sflag:s21], $0x4000  }
0x2f: {  	[sflag:s21] =	ssyncset.done $0x0  }
0x30: {  	[sflag:s21] =	ssyncadd.s32 $0xFFFFC000  }
0x31: {  	_ =	swait.ge [sflag:s21], $0x4000  }
0x32: {  	[sflag:s21] =	ssyncset.done $0x0  }
0x33: {  	[sflag:s21] =	ssyncadd.s32 $0xFFFFC000  }
0x34: {  	[hbm4b:s7+s3] =	stream.linear.scatter [tilespmem:s15], [sflag:$0x4], $0x8000, $0x38;
	[tilespmem:$0x19C00] =	vst v63  }
0x35: {  	s24 =	simm.s32 $0x200  }
0x36: {  	[tilespmem:s23], [sflag:$0x3] =	stream.indirect.gather [hbm4b:s2+s14], $0x80, s24, s14, $0xb8;
	[tilespmem:$0x19C00] =	vst v63  }
0x37: {  	s10 =	simm.s32 $0x280  }
0x38: {  	[tilespmem:s25], [sflag:$0x3] =	stream.indirect.gather [hbm4b:s2+s14], $0x80, s10, s14, $0xb8;
	[tilespmem:$0x19C00] =	vst v63  }
0x39: {  	_ =	swait.ge [sflag:s26], $0x4000  }
0x3a: {  	[sflag:s26] =	ssyncset.done $0x0  }
0x3b: {  	[sflag:s26] =	ssyncadd.s32 $0xFFFFC000  }
0x3c: {  	_ =	swait.ge [sflag:s26], $0x4000  }
0x3d: {  	[sflag:s26] =	ssyncset.done $0x0  }
0x3e: {  	[sflag:s26] =	ssyncadd.s32 $0xFFFFC000  }
0x3f: {  	[hbm4b:s8+s3] =	stream.linear.scatter [tilespmem:s18], [sflag:$0x5], $0x8000, $0x38;
	[tilespmem:$0x19C00] =	vst v63  }
0x40: {  	_ =	swait.ge [sflag:s28], $0x8000  }
0x41: {  	[sflag:s28] =	ssyncset.done $0x0  }
0x42: {  	s11 =	simm.s32 $0x300;
	[sflag:s28] =	ssyncadd.s32 $0xFFFF8000  }
0x43: {  	[tilespmem:s15], [sflag:$0x1] =	stream.indirect.gather [hbm4b:s2+s14], $0x80, s11, s14, $0xb8;
	[tilespmem:$0x19C00] =	vst v63  }
0x44: {  	s12 =	simm.s32 $0x380  }
0x45: {  	[tilespmem:s16], [sflag:$0x1] =	stream.indirect.gather [hbm4b:s2+s14], $0x80, s12, s14, $0xb8;
	[tilespmem:$0x19C00] =	vst v63  }
0x46: {  	_ =	swait.ge [sflag:s31], $0x4000  }
0x47: {  	[sflag:s31] =	ssyncset.done $0x0  }
0x48: {  	[sflag:s31] =	ssyncadd.s32 $0xFFFFC000  }
0x49: {  	_ =	swait.ge [sflag:s31], $0x4000  }
0x4a: {  	[sflag:s31] =	ssyncset.done $0x0  }
0x4b: {  	[sflag:s31] =	ssyncadd.s32 $0xFFFFC000  }
0x4c: {  	[hbm4b:s9+s3] =	stream.linear.scatter [tilespmem:s23], [sflag:$0x6], $0x8000, $0x38;
	[tilespmem:$0x19C00] =	vst v63  }
0x4d: {  	_ =	swait.ge [sflag:s1], $0x8000  }
0x4e: {  	[sflag:s1] =	ssyncset.done $0x0  }
0x4f: {  	s17 =	simm.s32 $0x400;
	[sflag:s1] =	ssyncadd.s32 $0xFFFF8000  }
0x50: {  	[tilespmem:s18], [sflag:$0x2] =	stream.indirect.gather [hbm4b:s2+s14], $0x80, s17, s14, $0xb8;
	[tilespmem:$0x19C00] =	vst v63  }
0x51: {  	s24 =	simm.s32 $0x480;
	s10 =	smov.u32 s0  }
0x52: {  	[tilespmem:s20], [sflag:$0x2] =	stream.indirect.gather [hbm4b:s2+s14], $0x80, s24, s14, $0xb8;
	[tilespmem:$0x19C00] =	vst v63  }
0x53: {  	s11 =	smov.u32 s30;
	s12 =	smov.u32 s29;
	s24 =	simm.s32 $0x0  }
.LBB2_2:
0x54: {  	_ =	swait.ge [sflag:s21], $0x4000  }
0x55: {  	[sflag:s21] =	ssyncset.done $0x0  }
0x56: {  	[sflag:s21] =	ssyncadd.s32 $0xFFFFC000  }
0x57: {  	_ =	swait.ge [sflag:s21], $0x4000  }
0x58: {  	[sflag:s21] =	ssyncset.done $0x0  }
0x59: {  	[sflag:s21] =	ssyncadd.s32 $0xFFFFC000  }
0x5a: {  	[hbm4b:s11+s3] =	stream.linear.scatter [tilespmem:s15], [sflag:$0x4], $0x8000, $0x38;
	[tilespmem:$0x19C00] =	vst v63  }
0x5b: {  	_ =	swait.ge [sflag:s19], $0x8000  }
0x5c: {  	s17 =	sshra.s32 s24, $0x2;
	[sflag:s19] =	ssyncset.done $0x0  }
0x5d: {  	s4 =	sadd.s32 $0x500, s17;
	[sflag:s19] =	ssyncadd.s32 $0xFFFF8000  }
0x5e: {  	[tilespmem:s23], [sflag:$0x3] =	stream.indirect.gather [hbm4b:s2+s14], $0x80, s4, s14, $0xb8;
	[tilespmem:$0x19C00] =	vst v63  }
0x5f: {  	s4 =	sadd.s32 $0x580, s17  }
0x60: {  	[tilespmem:s25], [sflag:$0x3] =	stream.indirect.gather [hbm4b:s2+s14], $0x80, s4, s14, $0xb8;
	[tilespmem:$0x19C00] =	vst v63  }
0x61: {  	_ =	swait.ge [sflag:s26], $0x4000  }
0x62: {  	[sflag:s26] =	ssyncset.done $0x0  }
0x63: {  	[sflag:s26] =	ssyncadd.s32 $0xFFFFC000  }
0x64: {  	_ =	swait.ge [sflag:s26], $0x4000  }
0x65: {  	[sflag:s26] =	ssyncset.done $0x0  }
0x66: {  	[sflag:s26] =	ssyncadd.s32 $0xFFFFC000  }
0x67: {  	[hbm4b:s10+s3] =	stream.linear.scatter [tilespmem:s18], [sflag:$0x5], $0x8000, $0x38;
	[tilespmem:$0x19C00] =	vst v63  }
0x68: {  	_ =	swait.ge [sflag:s28], $0x8000  }
0x69: {  	[sflag:s28] =	ssyncset.done $0x0  }
0x6a: {  	s4 =	sadd.s32 $0x600, s17;
	[sflag:s28] =	ssyncadd.s32 $0xFFFF8000  }
0x6b: {  	[tilespmem:s15], [sflag:$0x1] =	stream.indirect.gather [hbm4b:s2+s14], $0x80, s4, s14, $0xb8;
	[tilespmem:$0x19C00] =	vst v63  }
0x6c: {  	s4 =	sadd.s32 $0x680, s17  }
0x6d: {  	[tilespmem:s16], [sflag:$0x1] =	stream.indirect.gather [hbm4b:s2+s14], $0x80, s4, s14, $0xb8;
	[tilespmem:$0x19C00] =	vst v63  }
0x6e: {  	_ =	swait.ge [sflag:s31], $0x4000  }
0x6f: {  	[sflag:s31] =	ssyncset.done $0x0  }
0x70: {  	[sflag:s31] =	ssyncadd.s32 $0xFFFFC000  }
0x71: {  	_ =	swait.ge [sflag:s31], $0x4000  }
0x72: {  	p0 =	seq.s32 s24, $0x4800;
	[sflag:s31] =	ssyncset.done $0x0  }
.Ltmp2:
0x73: {  	[sflag:s31] =	ssyncadd.s32 $0xFFFFC000;
	(pc) =	sbr.rel @p0 .LBB2_4-.Ltmp2, $4  }
0x74: {  	[hbm4b:s12+s3] =	stream.linear.scatter [tilespmem:s23], [sflag:$0x6], $0x8000, $0x38;
	[tilespmem:$0x19C00] =	vst v63  }
0x75: {  	_ =	swait.ge [sflag:s1], $0x8000  }
0x76: {  	[sflag:s1] =	ssyncset.done $0x0  }
0x77: {  	[sflag:s1] =	ssyncadd.s32 $0xFFFF8000  }
.Ltmp3:
0x78: {  	(pc) =	sbr.rel .LBB2_2-.Ltmp3, $4  }
0x79: {  	s4 =	sadd.s32 $0x700, s17;
	s17 =	sadd.s32 $0x780, s17;
	s10 =	sadd.s32 $0x3000, s10  }
0x7a: {  	[tilespmem:s18], [sflag:$0x2] =	stream.indirect.gather [hbm4b:s2+s14], $0x80, s4, s14, $0xb8;
	[tilespmem:$0x19C00] =	vst v63  }
0x7b: {  	s11 =	sadd.s32 $0x3000, s11;
	s12 =	sadd.s32 $0x3000, s12;
	s24 =	sadd.s32 $0xC00, s24  }
0x7c: {  	[tilespmem:s20], [sflag:$0x2] =	stream.indirect.gather [hbm4b:s2+s14], $0x80, s17, s14, $0xb8;
	[tilespmem:$0x19C00] =	vst v63  }
.LBB2_5:
0x7d: {  	_ =	sfence.sel $0x180000  }
0x7e: {  	[bflag:$0x0] =	sbarrier.arrive $0xFFFF  }
0x7f: {  	_ =	strace $0x90000047  }
0x80: {  	s0 =	stileid.u32;
	[bflag:$0x2] =	sbarrier.arrive $0xFFFF  }
0x81: {  	p0 =	sne.s32 s0, $0x0;
	s0 =	rddreg [dreg:$0x3]  }
0x82: {  	s0 =	sadd.s32 @!p0 $0x100000, s0  }
0x83: {  	[sflag:s0] =	ssyncadd.tile.s32 @!p0 $0x1;
	_ =	shalt  }
.Lfunc_end2:
_tile_overlayer_lowered:
.L_overlay_start_2:
0x84: {  	(tag) =	ssettag $0x2  }
0x85: {  	s0 =	rddreg [dreg:$0x0];
	s2 =	stileid.u32  }
0x86: {  	s1 =	rddreg [dreg:$0x1];
	p0 =	sne.s32 s2, $0x0  }
0x87: {  	s3 =	rddreg [dreg:$0x2];
	[bflag:$0x3] =	sbarrier.arrive $0xFFFF;
	s2 =	simm.s32 @!p0 $0x1C07  }
0x88: {  	[timem:s3], [sflag:s2] =	dma.local @!p0 [hbm:s0], s1  }
0x89: {  	s0 =	simm.s32 @!p0 $0x7  }
0x8a: {  	_ =	swait.ge @!p0 [sflag:s0], s1  }
0x8b: {  	s1 =	ssub.s32 @!p0 $0x0, s1;
	[sflag:s0] =	ssyncset.done @!p0 $0x0  }
0x8c: {  	[sflag:s0] =	ssyncadd.s32 @!p0 s1  }
0x8d: {  	[bflag:$0x3] =	sbarrier.arrive $0xFFFF  }
0x8e: {  	_ =	shalt  }

</sc_bundles>
